<compile_context>
chip_gen: v7x
topology: tpu7x:2x2x1
jax: 0.10.2.dev20260603
libtpu: 0.0.44.dev20260713+nightly
codegen_flags: <defaults>
</compile_context>

<pallas_src>
import jax
import jax.numpy as jnp
from jax import lax
from jax.experimental import pallas as pl
from jax.experimental.pallas import tpu as pltpu
from jax.experimental.pallas import tpu_sc as plsc

BATCH = 16384
D = 128
NSETS = 100
NUSERS = 100
NC = 2
NS = 16
NW = NC * NS
RPW = BATCH // NW
L = 16
CH = 256
NCH = RPW // CH
G = 8


def _body(in_hbm, uidx_hbm, u2d_hbm, deltas_hbm, out_hbm,
          idx_v, dsidx_v, u2d_v, delta_v, bufs, in_sems, out_sems,
          idx_sem, u2d_sem, del_sem):
    c = lax.axis_index("c")
    s = lax.axis_index("s")
    wid = s * NC + c
    base = wid * RPW

    cp_idx = pltpu.async_copy(uidx_hbm.at[pl.ds(base, RPW)], idx_v, idx_sem)
    cp_u2d = pltpu.async_copy(u2d_hbm, u2d_v, u2d_sem)
    cp_del = pltpu.async_copy(deltas_hbm, delta_v, del_sem)
    cp_in = [
        pltpu.async_copy(in_hbm.at[pl.ds(base + k * CH, CH)], bufs[k],
                         in_sems[k])
        for k in range(NCH)
    ]

    PROBE_NO_COMPUTE = True
    if PROBE_NO_COMPUTE:
        cp_idx.wait()
        cp_u2d.wait()
        cp_del.wait()
        for k in range(NCH):
            cp_in[k].wait()
            pltpu.async_copy(bufs[k], out_hbm.at[pl.ds(base + k * CH, CH)],
                             out_sems[k])
        for k in range(NCH):
            pltpu.make_async_copy(bufs[k],
                                  out_hbm.at[pl.ds(base + k * CH, CH)],
                                  out_sems[k]).wait()
        return

    cp_idx.wait()
    cp_u2d.wait()

    def compose(i, carry):
        v = idx_v[pl.ds(i * L, L)]
        dsidx_v[pl.ds(i * L, L)] = plsc.load_gather(u2d_v, [v])
        return carry

    lax.fori_loop(0, RPW // L, compose, 0)

    cp_del.wait()

    iota = lax.iota(jnp.int32, L)
    cols = [iota + (j * L) for j in range(D // L)]

    for k in range(NCH):
        cp_in[k].wait()
        buf = bufs[k]

        def group(g, carry, buf=buf, k=k):
            r0 = k * CH + g * G
            dvecs = [
                plsc.load_gather(dsidx_v,
                                 [jnp.full((L,), r0 + rr, jnp.int32)])
                for rr in range(G)
            ]
            for rr in range(G):
                rc = g * G + rr
                djs = [plsc.load_gather(delta_v, [dvecs[rr], cols[j]])
                       for j in range(D // L)]
                ins = [buf[rc, pl.ds(j * L, L)] for j in range(D // L)]
                for j in range(D // L):
                    buf[rc, pl.ds(j * L, L)] = ins[j] + djs[j]
            return carry

        lax.fori_loop(0, CH // G, group, 0)
        pltpu.async_copy(buf, out_hbm.at[pl.ds(base + k * CH, CH)],
                         out_sems[k])

    for k in range(NCH):
        pltpu.make_async_copy(bufs[k], out_hbm.at[pl.ds(base + k * CH, CH)],
                              out_sems[k]).wait()


def kernel(in_repr, user_idxs, user_to_delta_set, deltas):
    mesh = plsc.VectorSubcoreMesh(core_axis_name="c", subcore_axis_name="s")
    k = pl.kernel(
        _body,
        mesh=mesh,
        out_type=jax.ShapeDtypeStruct((BATCH, D), jnp.float32),
        scratch_types=[
            pltpu.VMEM((RPW,), jnp.int32),
            pltpu.VMEM((RPW,), jnp.int32),
            pltpu.VMEM((NUSERS,), jnp.int32),
            pltpu.VMEM((NSETS, D), jnp.float32),
            [pltpu.VMEM((CH, D), jnp.float32) for _ in range(NCH)],
            [pltpu.SemaphoreType.DMA for _ in range(NCH)],
            [pltpu.SemaphoreType.DMA for _ in range(NCH)],
            pltpu.SemaphoreType.DMA,
            pltpu.SemaphoreType.DMA,
            pltpu.SemaphoreType.DMA,
        ],
        compiler_params=pltpu.CompilerParams(needs_layout_passes=False),
    )
    return k(in_repr, user_idxs, user_to_delta_set, deltas)

# --- scband reference (transcript-rebuilt; emitter-appended) ---
"""Pipeline reference for scband-add-modular-weights-10411000725526 (READ-ONLY COPY).

The authoritative reference and input builder live on the scoring server;
editing this copy changes nothing except your own understanding.
"""

import jax, jax.numpy as jnp
import numpy as np

BATCH = 16384
LATENT_DIM = 128
N_DELTA_SETS = 100
N_USERS = 100
INIT_STD = 0.01


def setup_inputs(seed: int = 0) -> dict:
    key = jax.random.key(seed)
    k1, k2, k3 = jax.random.split(key, 3)
    in_repr = jax.random.normal(k1, (BATCH, LATENT_DIM), dtype=jnp.float32)
    user_idxs = jax.random.randint(k2, (BATCH,), 0, N_USERS, dtype=jnp.int32)
    # module buffer: maps each user idx to a delta set (identity mapping here)
    user_to_delta_set = jnp.arange(N_USERS, dtype=jnp.int32)
    # learned parameter: deltas [n_delta_sets, latent_dim]
    deltas = INIT_STD * jax.random.normal(k3, (N_DELTA_SETS, LATENT_DIM), dtype=jnp.float32)
    return {"in_repr": in_repr, "user_idxs": user_idxs, "user_to_delta_set": user_to_delta_set, "deltas": deltas}


def reference(in_repr, user_idxs, user_to_delta_set, deltas):
    # deltas = self.deltas[self.user_to_delta_set[user_idxs]]
    delta_set_idx = jnp.take(user_to_delta_set, user_idxs, axis=0)
    d = jnp.take(deltas, delta_set_idx, axis=0)
    out_repr = in_repr + d
    # clamp_boundaries is None -> no clamp
    return out_repr

if __name__ == "__main__":
    import jax
    _d = setup_inputs()
    print(jax.jit(kernel)(*tuple(_d.values())))

</pallas_src>

<mosaic_0001>
#map = affine_map<(d0, d1) -> (0, 0)>
#map1 = affine_map<(d0, d1) -> (0)>
module attributes {stable_mosaic.version = 14 : i64} {
  func.func @_body(%arg0: i32, %arg1: i32, %arg2: memref<16384x128xf32, #tpu.memory_space<hbm>>, %arg3: memref<16384xi32, #tpu.memory_space<hbm>>, %arg4: memref<100xi32, #tpu.memory_space<hbm>>, %arg5: memref<100x128xf32, #tpu.memory_space<hbm>>, %arg6: memref<16384x128xf32, #tpu.memory_space<hbm>>, %arg7: memref<512xi32, #tpu.memory_space<vmem>>, %arg8: memref<512xi32, #tpu.memory_space<vmem>>, %arg9: memref<100xi32, #tpu.memory_space<vmem>>, %arg10: memref<100x128xf32, #tpu.memory_space<vmem>>, %arg11: memref<256x128xf32, #tpu.memory_space<vmem>>, %arg12: memref<256x128xf32, #tpu.memory_space<vmem>>, %arg13: memref<!tpu.dma_semaphore, #tpu.memory_space<semaphore_mem>>, %arg14: memref<!tpu.dma_semaphore, #tpu.memory_space<semaphore_mem>>, %arg15: memref<!tpu.dma_semaphore, #tpu.memory_space<semaphore_mem>>, %arg16: memref<!tpu.dma_semaphore, #tpu.memory_space<semaphore_mem>>, %arg17: memref<!tpu.dma_semaphore, #tpu.memory_space<semaphore_mem>>, %arg18: memref<!tpu.dma_semaphore, #tpu.memory_space<semaphore_mem>>, %arg19: memref<!tpu.dma_semaphore, #tpu.memory_space<semaphore_mem>>) attributes {dimension_semantics = [#tpu.dimension_semantics<core_parallel>, #tpu.dimension_semantics<subcore_parallel>], iteration_bounds = array<i64: 2, 16>, scalar_prefetch = 0 : i64, scratch_operands = 13 : i64, tpu.core_type = #tpu.core_type<sc_vector_subcore>, window_params = [{transform_indices = #map}, {transform_indices = #map1}, {transform_indices = #map1}, {transform_indices = #map}, {transform_indices = #map}]} {
    %mul3A = arith.constant 2 : i32
    %mul3A_0 = arith.muli %arg1, %mul3A : i32
    %add3A = arith.addi %mul3A_0, %arg0 : i32
    %mul3A_1 = arith.constant 512 : i32
    %mul3A_2 = arith.muli %add3A, %mul3A_1 : i32
    %dma_start3A = tpu.memref_slice %arg3[%mul3A_2] : memref<16384xi32, #tpu.memory_space<hbm>> -> memref<512xi32, #tpu.memory_space<hbm>>
    %dma_start3A_3 = tpu.memref_slice %arg3[%mul3A_2] : memref<16384xi32, #tpu.memory_space<hbm>> -> memref<512xi32, #tpu.memory_space<hbm>>
    tpu.enqueue_dma source(%dma_start3A_3 : memref<512xi32, #tpu.memory_space<hbm>>) target(%arg7 : memref<512xi32, #tpu.memory_space<vmem>>) target_semaphore(%arg17 : memref<!tpu.dma_semaphore, #tpu.memory_space<semaphore_mem>>)
    tpu.enqueue_dma source(%arg4 : memref<100xi32, #tpu.memory_space<hbm>>) target(%arg9 : memref<100xi32, #tpu.memory_space<vmem>>) target_semaphore(%arg18 : memref<!tpu.dma_semaphore, #tpu.memory_space<semaphore_mem>>)
    tpu.enqueue_dma source(%arg5 : memref<100x128xf32, #tpu.memory_space<hbm>>) target(%arg10 : memref<100x128xf32, #tpu.memory_space<vmem>>) target_semaphore(%arg19 : memref<!tpu.dma_semaphore, #tpu.memory_space<semaphore_mem>>)
    %add3A_4 = arith.constant 0 : i32
    %add3A_5 = arith.addi %mul3A_2, %add3A_4 : i32
    %dma_start3A_6 = arith.constant 0 : i32
    %dma_start3A_7 = tpu.memref_slice %arg2[%add3A_5, %dma_start3A_6] : memref<16384x128xf32, #tpu.memory_space<hbm>> -> memref<256x128xf32, #tpu.memory_space<hbm>>
    %dma_start3A_8 = arith.constant 0 : i32
    %dma_start3A_9 = tpu.memref_slice %arg2[%add3A_5, %dma_start3A_8] : memref<16384x128xf32, #tpu.memory_space<hbm>> -> memref<256x128xf32, #tpu.memory_space<hbm>>
    tpu.enqueue_dma source(%dma_start3A_9 : memref<256x128xf32, #tpu.memory_space<hbm>>) target(%arg11 : memref<256x128xf32, #tpu.memory_space<vmem>>) target_semaphore(%arg13 : memref<!tpu.dma_semaphore, #tpu.memory_space<semaphore_mem>>)
    %add3A_10 = arith.constant 256 : i32
    %add3A_11 = arith.addi %mul3A_2, %add3A_10 : i32
    %dma_start3A_12 = arith.constant 0 : i32
    %dma_start3A_13 = tpu.memref_slice %arg2[%add3A_11, %dma_start3A_12] : memref<16384x128xf32, #tpu.memory_space<hbm>> -> memref<256x128xf32, #tpu.memory_space<hbm>>
    %dma_start3A_14 = arith.constant 0 : i32
    %dma_start3A_15 = tpu.memref_slice %arg2[%add3A_11, %dma_start3A_14] : memref<16384x128xf32, #tpu.memory_space<hbm>> -> memref<256x128xf32, #tpu.memory_space<hbm>>
    tpu.enqueue_dma source(%dma_start3A_15 : memref<256x128xf32, #tpu.memory_space<hbm>>) target(%arg12 : memref<256x128xf32, #tpu.memory_space<vmem>>) target_semaphore(%arg14 : memref<!tpu.dma_semaphore, #tpu.memory_space<semaphore_mem>>)
    %dma_wait3A = tpu.memref_slice %arg3[%mul3A_2] : memref<16384xi32, #tpu.memory_space<hbm>> -> memref<512xi32, #tpu.memory_space<hbm>>
    %dma_wait3A_16 = tpu.memref_slice %arg3[%mul3A_2] : memref<16384xi32, #tpu.memory_space<hbm>> -> memref<512xi32, #tpu.memory_space<hbm>>
    tpu.wait_dma2 semaphore(%arg17 : memref<!tpu.dma_semaphore, #tpu.memory_space<semaphore_mem>>) src(%dma_wait3A_16 : memref<512xi32, #tpu.memory_space<hbm>>) dst(%arg7 : memref<512xi32, #tpu.memory_space<vmem>>)
    tpu.wait_dma2 semaphore(%arg18 : memref<!tpu.dma_semaphore, #tpu.memory_space<semaphore_mem>>) src(%arg4 : memref<100xi32, #tpu.memory_space<hbm>>) dst(%arg9 : memref<100xi32, #tpu.memory_space<vmem>>)
    tpu.wait_dma2 semaphore(%arg19 : memref<!tpu.dma_semaphore, #tpu.memory_space<semaphore_mem>>) src(%arg5 : memref<100x128xf32, #tpu.memory_space<hbm>>) dst(%arg10 : memref<100x128xf32, #tpu.memory_space<vmem>>)
    %dma_wait3A_17 = arith.constant 0 : i32
    %dma_wait3A_18 = tpu.memref_slice %arg2[%add3A_5, %dma_wait3A_17] : memref<16384x128xf32, #tpu.memory_space<hbm>> -> memref<256x128xf32, #tpu.memory_space<hbm>>
    %dma_wait3A_19 = arith.constant 0 : i32
    %dma_wait3A_20 = tpu.memref_slice %arg2[%add3A_5, %dma_wait3A_19] : memref<16384x128xf32, #tpu.memory_space<hbm>> -> memref<256x128xf32, #tpu.memory_space<hbm>>
    tpu.wait_dma2 semaphore(%arg13 : memref<!tpu.dma_semaphore, #tpu.memory_space<semaphore_mem>>) src(%dma_wait3A_20 : memref<256x128xf32, #tpu.memory_space<hbm>>) dst(%arg11 : memref<256x128xf32, #tpu.memory_space<vmem>>)
    %add3A_21 = arith.constant 0 : i32
    %add3A_22 = arith.addi %mul3A_2, %add3A_21 : i32
    %dma_start3A_23 = arith.constant 0 : i32
    %dma_start3A_24 = tpu.memref_slice %arg6[%add3A_22, %dma_start3A_23] : memref<16384x128xf32, #tpu.memory_space<hbm>> -> memref<256x128xf32, #tpu.memory_space<hbm>>
    %dma_start3A_25 = arith.constant 0 : i32
    %dma_start3A_26 = tpu.memref_slice %arg6[%add3A_22, %dma_start3A_25] : memref<16384x128xf32, #tpu.memory_space<hbm>> -> memref<256x128xf32, #tpu.memory_space<hbm>>
    tpu.enqueue_dma source(%arg11 : memref<256x128xf32, #tpu.memory_space<vmem>>) target(%dma_start3A_26 : memref<256x128xf32, #tpu.memory_space<hbm>>) target_semaphore(%arg15 : memref<!tpu.dma_semaphore, #tpu.memory_space<semaphore_mem>>)
    %dma_wait3A_27 = arith.constant 0 : i32
    %dma_wait3A_28 = tpu.memref_slice %arg2[%add3A_11, %dma_wait3A_27] : memref<16384x128xf32, #tpu.memory_space<hbm>> -> memref<256x128xf32, #tpu.memory_space<hbm>>
    %dma_wait3A_29 = arith.constant 0 : i32
    %dma_wait3A_30 = tpu.memref_slice %arg2[%add3A_11, %dma_wait3A_29] : memref<16384x128xf32, #tpu.memory_space<hbm>> -> memref<256x128xf32, #tpu.memory_space<hbm>>
    tpu.wait_dma2 semaphore(%arg14 : memref<!tpu.dma_semaphore, #tpu.memory_space<semaphore_mem>>) src(%dma_wait3A_30 : memref<256x128xf32, #tpu.memory_space<hbm>>) dst(%arg12 : memref<256x128xf32, #tpu.memory_space<vmem>>)
    %add3A_31 = arith.constant 256 : i32
    %add3A_32 = arith.addi %mul3A_2, %add3A_31 : i32
    %dma_start3A_33 = arith.constant 0 : i32
    %dma_start3A_34 = tpu.memref_slice %arg6[%add3A_32, %dma_start3A_33] : memref<16384x128xf32, #tpu.memory_space<hbm>> -> memref<256x128xf32, #tpu.memory_space<hbm>>
    %dma_start3A_35 = arith.constant 0 : i32
    %dma_start3A_36 = tpu.memref_slice %arg6[%add3A_32, %dma_start3A_35] : memref<16384x128xf32, #tpu.memory_space<hbm>> -> memref<256x128xf32, #tpu.memory_space<hbm>>
    tpu.enqueue_dma source(%arg12 : memref<256x128xf32, #tpu.memory_space<vmem>>) target(%dma_start3A_36 : memref<256x128xf32, #tpu.memory_space<hbm>>) target_semaphore(%arg16 : memref<!tpu.dma_semaphore, #tpu.memory_space<semaphore_mem>>)
    %add3A_37 = arith.constant 0 : i32
    %add3A_38 = arith.addi %mul3A_2, %add3A_37 : i32
    %dma_wait3A_39 = arith.constant 0 : i32
    %dma_wait3A_40 = tpu.memref_slice %arg6[%add3A_38, %dma_wait3A_39] : memref<16384x128xf32, #tpu.memory_space<hbm>> -> memref<256x128xf32, #tpu.memory_space<hbm>>
    %dma_wait3A_41 = arith.constant 0 : i32
    %dma_wait3A_42 = tpu.memref_slice %arg6[%add3A_38, %dma_wait3A_41] : memref<16384x128xf32, #tpu.memory_space<hbm>> -> memref<256x128xf32, #tpu.memory_space<hbm>>
    tpu.wait_dma2 semaphore(%arg15 : memref<!tpu.dma_semaphore, #tpu.memory_space<semaphore_mem>>) src(%arg11 : memref<256x128xf32, #tpu.memory_space<vmem>>) dst(%dma_wait3A_42 : memref<256x128xf32, #tpu.memory_space<hbm>>)
    %add3A_43 = arith.constant 256 : i32
    %add3A_44 = arith.addi %mul3A_2, %add3A_43 : i32
    %dma_wait3A_45 = arith.constant 0 : i32
    %dma_wait3A_46 = tpu.memref_slice %arg6[%add3A_44, %dma_wait3A_45] : memref<16384x128xf32, #tpu.memory_space<hbm>> -> memref<256x128xf32, #tpu.memory_space<hbm>>
    %dma_wait3A_47 = arith.constant 0 : i32
    %dma_wait3A_48 = tpu.memref_slice %arg6[%add3A_44, %dma_wait3A_47] : memref<16384x128xf32, #tpu.memory_space<hbm>> -> memref<256x128xf32, #tpu.memory_space<hbm>>
    tpu.wait_dma2 semaphore(%arg16 : memref<!tpu.dma_semaphore, #tpu.memory_space<semaphore_mem>>) src(%arg12 : memref<256x128xf32, #tpu.memory_space<vmem>>) dst(%dma_wait3A_48 : memref<256x128xf32, #tpu.memory_space<hbm>>)
    return
  }
}

</mosaic_0001>

<sc_bundles>
// kernel: kernel.3.cloned.1.call-start
scs
__scs_entry_jumppad:
0x0: {  	(pc) =	sbr.rel $0x88, $3  }
0x1: {  	(tag) =	ssettag $0x0;
	lr =	simm.s32 $0x1  }
0x2: {  	[smem:$0x3F9D] =	sst lr;
	_ =	strace $0xD0000000  }
0x3: {  	_ = 	snop  }
0x4: {  	_ = 	snop  }
0x5: {  	_ = 	snop  }
0x6: {  	_ = 	snop  }
0x7: {  	_ = 	snop  }
__scs_overlays_trampoline_lowered:
0x8: {  	[smem:$0x3FAC] =	sst s0  }
0x9: {  	[smem:$0x3FAD] =	sst s1  }
0xa: {  	[smem:$0x3FAE] =	sst s2  }
0xb: {  	[smem:$0x3FAF] =	sst s3  }
0xc: {  	[smem:$0x3FB0] =	sst s4  }
0xd: {  	[smem:$0x3FB1] =	sst s5  }
0xe: {  	[smem:$0x3FB2] =	sst s6  }
0xf: {  	[smem:$0x3FB3] =	sst s7  }
0x10: {  	[smem:$0x3FB4] =	sst s8  }
0x11: {  	[smem:$0x3FB5] =	sst s9;
	s0 =	simm.s32 @!p0 $0x0  }
0x12: {  	s1 =	sld [smem:$0x3F9B];
	s0 =	simm.s32 @p0 $0x1  }
0x13: {  	[smem:$0x3FB6] =	sst s0;
	s0 =	simm.s32 @!p1 $0x0  }
0x14: {  	s2 =	sld [smem:$0x3F9A];
	s0 =	simm.s32 @p1 $0x1  }
0x15: {  	[smem:$0x3FB7] =	sst s0;
	s0 =	simm.s32 @!p2 $0x0  }
0x16: {  	s3 =	sld [smem:$0x3FDB];
	s0 =	simm.s32 @p2 $0x1  }
0x17: {  	s4 =	simm.s32 $0x1BF5;
	[smem:$0x3FB9] =	sst s0  }
0x18: {  	s0 =	sld [smem:$0x3F9C];
	_ =	swait.ge [sflag:s4], $0x0  }
0x19: {  	s7 =	sld [smem:$0x3F9D]  }
0x1a: {  	s8 =	sadd.s32 $0xFFFFE003, lr  }
0x1b: {  	s9 =	sadd.s32 $0xFFFFFEF7, lr;
	s5 =	simm.s32 $0xFFFFFFFF;
	p2 =	slt.u32 s8, $0xFFFFF086  }
0x1c: {  	p1 =	slt.u32 s9, $0xF7A;
	s5 =	simm.s32 @!p2 $0x0  }
0x1d: {  	s5 =	simm.s32 @p1 $0x1;
	p0 =	seq.s32 s7, s2  }
0x1e: {  	s7 =	smul.u32 @!p0 $0xF7A, s2;
	p2 =	seq.s32 @!p0 s5, $0x0  }
0x1f: {  	s9 =	smul.u32 $0xF7A, s1;
	s8 =	simm.s32 @!p0 $0x1BF5;
	p2 =	por !p2, p0  }
0x20: {  	[sflag:s8] =	ssyncset.s32 @!p0 $0xFFFFF086;
	s6 =	sadd.s32 @!p0 s3, s7;
	s7 =	simm.s32 @!p0 $0x108  }
0x21: {  	s3 =	sadd.s32 s3, s9;
	s6 =	sadd.s32 @!p0 $0x88, s6;
	s7 =	simm.s32 @p2 $0x1082  }
0x22: {  	[simem:s7], [sflag:s8] =	dma.local @!p0 [hbm:s6], $0xF7A  }
0x23: {  	s9 =	sor.u32 $0xD0000000, s2;
	s6 =	simm.s32 $0x108;
	_ =	swait.ge @!p0 [sflag:s8], $0x0  }
0x24: {  	s3 =	sadd.s32 $0x88, s3;
	s6 =	simm.s32 @!p1 $0x1082;
	[sflag:s4] =	ssyncset.s32 $0xFFFFF086  }
0x25: {  	[simem:s6], [sflag:s4] =	dma.local [hbm:s3], $0xF7A  }
0x26: {  	[smem:$0x3F9D] =	sst s1;
	(tag) =	ssettag s2;
	_ =	strace s9  }
0x27: {  	s1 =	sld [smem:$0x3FAD]  }
0x28: {  	s2 =	sld [smem:$0x3FAE]  }
0x29: {  	s4 =	sld [smem:$0x3FB0]  }
0x2a: {  	p0 =	seq.s32 s5, $0x0;
	s5 =	sld [smem:$0x3FB1]  }
0x2b: {  	s6 =	sld [smem:$0x3FB2]  }
0x2c: {  	s7 =	sld [smem:$0x3FB3]  }
0x2d: {  	s3 =	simm.s32 $0x108;
	s8 =	sld [smem:$0x3FB4]  }
0x2e: {  	s3 =	simm.s32 @!p0 $0x1082;
	s9 =	sld [smem:$0x3FB5]  }
0x2f: {  	lr =	sadd.s32 s0, s3;
	s0 =	sld [smem:$0x3FAC]  }
0x30: {  	s3 =	sld [smem:$0x3FAF]  }
0x31: {  	[smem:$0x3FB8] =	sst s10  }
0x32: {  	s10 =	sld [smem:$0x3FB6];
	_ =	sdelay $0x3  }
0x33: {  	p0 =	seq.s32 s10, $0x1;
	s10 =	sld [smem:$0x3FB8];
	_ =	sdelay $0x3  }
0x34: {  	[smem:$0x3FB8] =	sst s10  }
0x35: {  	s10 =	sld [smem:$0x3FB7];
	_ =	sdelay $0x3  }
0x36: {  	p1 =	seq.s32 s10, $0x1;
	s10 =	sld [smem:$0x3FB8];
	_ =	sdelay $0x3  }
0x37: {  	[smem:$0x3FB8] =	sst s10  }
0x38: {  	s10 =	sld [smem:$0x3FB9]  }
0x39: {  	_ = 	snop;
	(pc) =	sbr.ind lr, $3  }
0x3a: {  	_ = 	snop  }
0x3b: {  	_ = 	snop  }
0x3c: {  	p2 =	seq.s32 s10, $0x1;
	s10 =	sld [smem:$0x3FB8]  }
0x3d: {  	_ =	shalt  }
0x3e: {  	_ =	shalt  }
0x3f: {  	_ =	shalt  }
0x40: {  	_ =	shalt  }
0x41: {  	_ =	shalt  }
0x42: {  	_ =	shalt  }
0x43: {  	_ =	shalt  }
0x44: {  	_ =	shalt  }
0x45: {  	_ =	shalt  }
0x46: {  	_ =	shalt  }
0x47: {  	_ =	shalt  }
0x48: {  	_ =	shalt  }
0x49: {  	_ =	shalt  }
0x4a: {  	_ =	shalt  }
0x4b: {  	_ =	shalt  }
0x4c: {  	_ =	shalt  }
0x4d: {  	_ =	shalt  }
0x4e: {  	_ =	shalt  }
0x4f: {  	_ =	shalt  }
0x50: {  	_ =	shalt  }
0x51: {  	_ =	shalt  }
0x52: {  	_ =	shalt  }
0x53: {  	_ =	shalt  }
0x54: {  	_ =	shalt  }
0x55: {  	_ =	shalt  }
0x56: {  	_ =	shalt  }
0x57: {  	_ =	shalt  }
0x58: {  	_ =	shalt  }
0x59: {  	_ =	shalt  }
0x5a: {  	_ =	shalt  }
0x5b: {  	_ =	shalt  }
0x5c: {  	_ =	shalt  }
0x5d: {  	_ =	shalt  }
0x5e: {  	_ =	shalt  }
0x5f: {  	_ =	shalt  }
0x60: {  	_ =	shalt  }
0x61: {  	_ =	shalt  }
0x62: {  	_ =	shalt  }
0x63: {  	_ =	shalt  }
0x64: {  	_ =	shalt  }
0x65: {  	_ =	shalt  }
0x66: {  	_ =	shalt  }
0x67: {  	_ =	shalt  }
0x68: {  	_ =	shalt  }
0x69: {  	_ =	shalt  }
0x6a: {  	_ =	shalt  }
0x6b: {  	_ =	shalt  }
0x6c: {  	_ =	shalt  }
0x6d: {  	_ =	shalt  }
0x6e: {  	_ =	shalt  }
0x6f: {  	_ =	shalt  }
0x70: {  	_ =	shalt  }
0x71: {  	_ =	shalt  }
0x72: {  	_ =	shalt  }
0x73: {  	_ =	shalt  }
0x74: {  	_ =	shalt  }
0x75: {  	_ =	shalt  }
0x76: {  	_ =	shalt  }
0x77: {  	_ =	shalt  }
0x78: {  	_ =	shalt  }
0x79: {  	_ =	shalt  }
0x7a: {  	_ =	shalt  }
0x7b: {  	_ =	shalt  }
0x7c: {  	_ =	shalt  }
0x7d: {  	_ =	shalt  }
0x7e: {  	_ =	shalt  }
0x7f: {  	_ =	shalt  }
0x80: {  	_ =	shalt  }
0x81: {  	_ =	shalt  }
0x82: {  	_ =	shalt  }
0x83: {  	_ =	shalt  }
0x84: {  	_ =	shalt  }
0x85: {  	_ =	shalt  }
0x86: {  	_ =	shalt  }
0x87: {  	_ =	shalt  }
.Lfunc_end0:
.L_simem_size_0:
called_computation_lowered:
.L_overlay_start_0:
0x88: {  	s2 =	sld [smem:$0x3FD9]  }
0x89: {  	s3 =	sld [smem:$0x3FFE];
	_ =	sdelay $0x1  }
0x8a: {  	s1 =	srdreg.scid  }
0x8b: {  	s0 =	sand.u32 $0x1, s1  }
0x8c: {  	s18 =	sshll.u32 s0, $0xA;
	s2 =	sadd.s32 s3, s2  }
0x8d: {  	s2 =	sadd.s32 s2, s18  }
0x8e: {  	[smem:$0x3FC4] =	sst s2  }
0x8f: {  	_ = 	snop  }
0x90: {  	s2 =	sld [smem:$0x3FC9]  }
0x91: {  	s19 =	sld [smem:$0x3FC8]  }
0x92: {  	s4 =	sld [smem:$0x3FC7]  }
0x93: {  	s5 =	sld [smem:$0x3FC6]  }
0x94: {  	s6 =	sld [smem:$0x3FD0];
	(tm) =	ssettm $0x1  }
0x95: {  	s7 =	sld [smem:$0x3FFB];
	_ =	sdelay $0x3  }
0x96: {  	_ =	strace s7  }
0x97: {  	s7 =	sld [smem:$0x3FFC];
	_ =	sdelay $0x3  }
0x98: {  	_ =	strace s7  }
0x99: {  	s7 =	sld [smem:$0x3FFD];
	_ =	sdelay $0x3  }
0x9a: {  	_ =	strace s7  }
0x9b: {  	_ =	strace $0x8FFFFFFF  }
0x9c: {  	s20 =	sld [smem:$0x3FDB];
	_ =	sdelay $0x1  }
0x9d: {  	s8 =	simm.s32 $_scs_section_size  }
0x9e: {  	s9 =	simm.s32 $_size__tile_overlayer_lowered;
	s10 =	simm.s32 $_tile_overlayer_lowered  }
0x9f: {  	s23 =	simm.s32 $0x1BFF;
	s22 =	sshll.u32 s10, $0x1;
	s7 =	sadd.s32 s8, s20  }
0xa0: {  	s11 =	simm.s32 $0x0;
	s21 =	sshll.u32 s9, $0x1;
	s9 =	sadd.s32 s22, s7  }
0xa1: {  	[timem:s11], [sflag:s23] =	dma.local [hbm:s9], s21  }
0xa2: {  	_ =	swait.ge [sflag:s23], s21  }
0xa3: {  	s8 =	ssub.s32 $0x0, s21;
	[sflag:s23] =	ssyncset.done $0x0  }
0xa4: {  	[sflag:s23] =	ssyncadd.s32 s8;
	_ =	sdelay $0x1  }
0xa5: {  	s24 =	simm.s32 $0x1B8B  }
0xa6: {  	_ =	swait.ge [sflag:s24], $0x1  }
0xa7: {  	[sflag:s24] =	ssyncset.done $0x0  }
0xa8: {  	s25 =	simm.s32 $0x1B8E;
	[sflag:s24] =	ssyncadd.s32 $0xFFFFFFFF  }
0xa9: {  	s26 =	simm.s32 $execute0_lowered;
	[smem:$0x3FD2] =	sst s25  }
0xaa: {  	s8 =	sshll.u32 s26, $0x1;
	_ =	strace $0x80000046;
	[dreg:$0x1] =	wrdreg $0xFFFFFFFF  }
0xab: {  	s28 =	simm.s32 $_size_execute0_lowered;
	s7 =	sadd.s32 s7, s8;
	[dreg:$0x0] =	wrdreg $0x0  }
0xac: {  	s8 =	sshll.u32 s28, $0x1;
	[dreg:$0x2] =	wrdreg s7  }
0xad: {  	[dreg:$0x3] =	wrdreg s8  }
0xae: {  	[dreg:$0x4] =	wrdreg $0xC0  }
0xaf: {  	_ =	task [dreg:s11], $0x5FFFF  }
0xb0: {  	[dreg:$0x1] =	wrdreg $0xFFFFFFFF  }
0xb1: {  	[dreg:$0x0] =	wrdreg $0x60  }
0xb2: {  	[dreg:$0x2] =	wrdreg s2  }
0xb3: {  	[dreg:$0x3] =	wrdreg s19  }
0xb4: {  	[dreg:$0x4] =	wrdreg s4  }
0xb5: {  	[dreg:$0x5] =	wrdreg s5  }
0xb6: {  	[dreg:$0x6] =	wrdreg s6  }
0xb7: {  	[dreg:$0x7] =	wrdreg $0x9  }
0xb8: {  	_ =	task.clear_ibuf [dreg:s11], $0x8FFFF;
	_ =	strace $0x90000046  }
0xb9: {  	s29 =	simm.s32 $0x9;
	_ =	strace $0x80000048  }
0xba: {  	_ =	swait.ge [sflag:s29], $0x1  }
0xbb: {  	[sflag:s29] =	ssyncadd.s32 $0xFFFFFFFF  }
0xbc: {  	_ =	strace $0x90000048  }
0xbd: {  	_ =	sfence  }
0xbe: {  	s30 =	sld [smem:$0x0];
	_ =	sdelay $0x2  }
0xbf: {  	s31 =	sshll.u32 s1, $0xD;
	s1 =	sshrl.u32 s1, $0x2  }
0xc0: {  	s3 =	sand.u32 $0x4000, s31;
	s1 =	sadd.s32 s1, s30  }
0xc1: {  	s0 =	sor.u32 s3, s0;
	s1 =	sshll.u32 s1, $0x11  }
0xc2: {  	s0 =	sor.u32 s1, s0  }
0xc3: {  	s0 =	sadd.s32 $0x8F2B, s0  }
0xc4: {  	[sflag:s0] =	ssyncadd.remote.s32 $0x1  }
0xc5: {  	_ =	sfence.sel $0xFFFF  }
0xc6: {  	[dreg:$0x0] =	wrdreg $0xFFFFFFFF;
	(pc) =	sbr.abs _section_cstart, $3  }
0xc7: {  	[dreg:$0x1] =	wrdreg $0xFFFFFFFF  }
0xc8: {  	_ =	task.clear_ibuf [dreg:s11], $0x2FFFF;
	_ =	strace $0x9FFFFFFF  }
0xc9: {  	(tm) =	ssettm $0x7FFFFFFF  }
tec
execute0_lowered:
.L_overlay_start_1:
0x0: {  	(tag) =	ssettag $0x1  }
0x1: {  	s10 =	rddreg [dreg:$0x0]  }
0x2: {  	s5 =	rddreg [dreg:$0x1];
	s2 =	srdreg.scid  }
0x3: {  	s1 =	rddreg [dreg:$0x2];
	s0 =	stileid.u32;
	s18 =	sand.u32 $0x1, s2  }
0x4: {  	s3 =	rddreg [dreg:$0x3];
	s6 =	sshll.u32 s0, $0xA;
	s7 =	sshll.u32 s18, $0x9  }
0x5: {  	s19 =	rddreg [dreg:$0x4];
	s4 =	simm.s32 $0x0;
	s7 =	sor.u32 s7, s6  }
0x6: {  	[smem:$0x7FF] =	sst s4;
	s6 =	sshrl.u32 s7, $0x3  }
0x7: {  	s2 =	rddreg [dreg:$0x5];
	_ =	strace $0x80000047;
	s5 =	sadd.s32 s5, s6  }
0x8: {  	[tilespmem:s4], [sflag:$0x5] =	stream.linear.gather [hbm4b:s5+s4], $0x200, $0x38;
	[tilespmem:$0x13680] =	vst v63  }
0x9: {  	s6 =	simm.s32 $0x200  }
0xa: {  	[tilespmem:s6], [sflag:$0x6] =	stream.linear.gather [hbm4b:s1+s4], $0x80, $0x38;
	[tilespmem:$0x13680] =	vst v63  }
0xb: {  	s16 =	sshll.u32 s7, $0x4;
	s7 =	simm.s32 $0x280  }
0xc: {  	[tilespmem:s7], [sflag:$0x7] =	stream.linear.gather [hbm4b:s3+s4], $0x3200, $0x38;
	[tilespmem:$0x13680] =	vst v63  }
0xd: {  	s9 =	simm.s32 $0x3680;
	s8 =	sadd.s32 s10, s16;
	s20 =	sor.u32 $0x1000, s16  }
0xe: {  	[tilespmem:s9], [sflag:$0x1] =	stream.linear.gather [hbm4b:s8+s4], $0x8000, $0x38;
	[tilespmem:$0x13680] =	vst v63  }
0xf: {  	s11 =	simm.s32 $0xB680;
	s12 =	simm.s32 $0x5;
	s10 =	sadd.s32 s10, s20  }
0x10: {  	[tilespmem:s11], [sflag:$0x2] =	stream.linear.gather [hbm4b:s10+s4], $0x8000, $0x38;
	[tilespmem:$0x13680] =	vst v63  }
0x11: {  	_ =	swait.ge [sflag:s12], $0x200  }
0x12: {  	[sflag:s12] =	ssyncset.done $0x0  }
0x13: {  	s13 =	simm.s32 $0x6;
	[sflag:s12] =	ssyncadd.s32 $0xFFFFFE00  }
0x14: {  	_ =	swait.ge [sflag:s13], $0x80  }
0x15: {  	[sflag:s13] =	ssyncset.done $0x0  }
0x16: {  	s14 =	simm.s32 $0x7;
	[sflag:s13] =	ssyncadd.s32 $0xFFFFFF80  }
0x17: {  	_ =	swait.ge [sflag:s14], $0x3200  }
0x18: {  	[sflag:s14] =	ssyncset.done $0x0  }
0x19: {  	s15 =	simm.s32 $0x1;
	[sflag:s14] =	ssyncadd.s32 $0xFFFFCE00  }
0x1a: {  	_ =	swait.ge [sflag:s15], $0x8000  }
0x1b: {  	s17 =	simm.s32 $0x2;
	s21 =	ssub.s32 $0x2, s18;
	[sflag:s15] =	ssyncset.done $0x0  }
0x1c: {  	s31 =	sshrl.u32 s21, $0x1;
	s16 =	sadd.s32 s19, s16;
	[sflag:s15] =	ssyncadd.s32 $0xFFFF8000  }
0x1d: {  	[hbm4b:s16+s4] =	stream.linear.scatter [tilespmem:s9], [sflag:$0x3], $0x8000, $0x38;
	[tilespmem:$0x13680] =	vst v63  }
0x1e: {  	s18 =	sadd.s32 s19, s20;
	s20 =	ssub.s32 s21, s31;
	_ =	swait.ge [sflag:s17], $0x8000  }
0x1f: {  	s21 =	smax.u32 s20, $0x1;
	[sflag:s17] =	ssyncset.done $0x0  }
0x20: {  	s19 =	simm.s32 $0x3;
	p0 =	sne.s32 s21, $0x1;
	[sflag:s17] =	ssyncadd.s32 $0xFFFF8000  }
0x21: {  	[hbm4b:s18+s4] =	stream.linear.scatter [tilespmem:s11], [sflag:$0x4], $0x8000, $0x38;
	[tilespmem:$0x13680] =	vst v63  }
.Ltmp0:
0x22: {  	_ =	swait.ge [sflag:s19], $0x8000;
	(pc) =	sbr.rel @!p0 .LBB2_2-.Ltmp0, $4  }
0x23: {  	[sflag:s19] =	ssyncset.done $0x0  }
0x24: {  	s20 =	simm.s32 $0x4;
	[sflag:s19] =	ssyncadd.s32 $0xFFFF8000  }
0x25: {  	_ =	swait.ge [sflag:s20], $0x8000  }
0x26: {  	s21 =	sadd.s32 $0xFFFFFFFF, s21;
	[sflag:s20] =	ssyncset.done $0x0  }
.LBB2_1:
0x27: {  	p0 =	sne.s32 s21, $0x1;
	s21 =	sadd.s32 $0xFFFFFFFF, s21;
	[sflag:s20] =	ssyncadd.s32 $0xFFFF8000  }
0x28: {  	[tilespmem:s4], [sflag:$0x5] =	stream.linear.gather [hbm4b:s5+s4], $0x200, $0x38;
	[tilespmem:$0x13680] =	vst v63  }
0x29: {  	_ = 	snop  }
0x2a: {  	[tilespmem:s6], [sflag:$0x6] =	stream.linear.gather [hbm4b:s1+s4], $0x80, $0x38;
	[tilespmem:$0x13680] =	vst v63  }
0x2b: {  	_ = 	snop  }
0x2c: {  	[tilespmem:s7], [sflag:$0x7] =	stream.linear.gather [hbm4b:s3+s4], $0x3200, $0x38;
	[tilespmem:$0x13680] =	vst v63  }
0x2d: {  	_ = 	snop  }
0x2e: {  	[tilespmem:s9], [sflag:$0x1] =	stream.linear.gather [hbm4b:s8+s4], $0x8000, $0x38;
	[tilespmem:$0x13680] =	vst v63  }
0x2f: {  	_ = 	snop  }
0x30: {  	[tilespmem:s11], [sflag:$0x2] =	stream.linear.gather [hbm4b:s10+s4], $0x8000, $0x38;
	[tilespmem:$0x13680] =	vst v63  }
0x31: {  	_ =	swait.ge [sflag:s12], $0x200  }
0x32: {  	[sflag:s12] =	ssyncset.done $0x0  }
0x33: {  	[sflag:s12] =	ssyncadd.s32 $0xFFFFFE00  }
0x34: {  	_ =	swait.ge [sflag:s13], $0x80  }
0x35: {  	[sflag:s13] =	ssyncset.done $0x0  }
0x36: {  	[sflag:s13] =	ssyncadd.s32 $0xFFFFFF80  }
0x37: {  	_ =	swait.ge [sflag:s14], $0x3200  }
0x38: {  	[sflag:s14] =	ssyncset.done $0x0  }
0x39: {  	[sflag:s14] =	ssyncadd.s32 $0xFFFFCE00  }
0x3a: {  	_ =	swait.ge [sflag:s15], $0x8000  }
0x3b: {  	[sflag:s15] =	ssyncset.done $0x0  }
0x3c: {  	[sflag:s15] =	ssyncadd.s32 $0xFFFF8000  }
0x3d: {  	[hbm4b:s16+s4] =	stream.linear.scatter [tilespmem:s9], [sflag:$0x3], $0x8000, $0x38;
	[tilespmem:$0x13680] =	vst v63  }
0x3e: {  	_ =	swait.ge [sflag:s17], $0x8000  }
0x3f: {  	[sflag:s17] =	ssyncset.done $0x0  }
0x40: {  	[sflag:s17] =	ssyncadd.s32 $0xFFFF8000  }
0x41: {  	[hbm4b:s18+s4] =	stream.linear.scatter [tilespmem:s11], [sflag:$0x4], $0x8000, $0x38;
	[tilespmem:$0x13680] =	vst v63  }
.Ltmp1:
0x42: {  	_ =	swait.ge [sflag:s19], $0x8000;
	(pc) =	sbr.rel @p0 .LBB2_1-.Ltmp1, $4  }
0x43: {  	[sflag:s19] =	ssyncset.done $0x0  }
0x44: {  	[sflag:s19] =	ssyncadd.s32 $0xFFFF8000  }
0x45: {  	_ =	swait.ge [sflag:s20], $0x8000  }
0x46: {  	[sflag:s20] =	ssyncset.done $0x0  }
.LBB2_2:
0x47: {  	[sflag:s20] =	ssyncadd.s32 $0xFFFF8000  }
0x48: {  	_ =	sfence.sel $0x180000  }
0x49: {  	[bflag:$0x0] =	sbarrier.arrive $0xFFFF  }
0x4a: {  	p0 =	sne.s32 s0, $0x0;
	_ =	strace $0x90000047  }
0x4b: {  	s0 =	sadd.s32 @!p0 $0x100000, s2;
	[bflag:$0x2] =	sbarrier.arrive $0xFFFF  }
0x4c: {  	[sflag:s0] =	ssyncadd.tile.s32 @!p0 $0x1;
	_ =	shalt  }
.Lfunc_end2:
_tile_overlayer_lowered:
.L_overlay_start_2:
0x4d: {  	(tag) =	ssettag $0x2  }
0x4e: {  	s0 =	rddreg [dreg:$0x0];
	s2 =	stileid.u32  }
0x4f: {  	s1 =	rddreg [dreg:$0x1];
	p0 =	sne.s32 s2, $0x0  }
0x50: {  	s3 =	rddreg [dreg:$0x2];
	[bflag:$0x3] =	sbarrier.arrive $0xFFFF;
	s2 =	simm.s32 @!p0 $0x1C08  }
0x51: {  	[timem:s3], [sflag:s2] =	dma.local @!p0 [hbm:s0], s1  }
0x52: {  	s0 =	simm.s32 @!p0 $0x8  }
0x53: {  	_ =	swait.ge @!p0 [sflag:s0], s1  }
0x54: {  	s1 =	ssub.s32 @!p0 $0x0, s1;
	[sflag:s0] =	ssyncset.done @!p0 $0x0  }
0x55: {  	[sflag:s0] =	ssyncadd.s32 @!p0 s1  }
0x56: {  	[bflag:$0x3] =	sbarrier.arrive $0xFFFF  }
0x57: {  	_ =	shalt  }

</sc_bundles>
